<compile_context>
chip_gen: v7x
topology: tpu7x:2x2x1
jax: 0.10.2.dev20260603
libtpu: 0.0.44.dev20260713+nightly
codegen_flags: <defaults>
</compile_context>

<pallas_src>
import dataclasses
import functools

import jax
import jax.numpy as jnp
import numpy as np
from jax import lax
from jax.experimental import pallas as pl
from jax.experimental.pallas import tpu as pltpu
from jax.experimental.pallas import tpu_sc as plsc

N_ROWS = 128
N_COLS = 32768
K = 64
NC = 2
NS = 16
NW = NC * NS
RPW = N_ROWS // NW
NV = N_COLS // 16
SIGN = np.int32(-2147483648)
MAGN = np.int32(0x7FFFFFFF)


def _key(x):
    u = plsc.bitcast(x, jnp.int32)
    s = lax.shift_right_arithmetic(u, 31)
    return lax.bitwise_xor(u, lax.bitwise_and(s, MAGN))


def _topk_body(x_hbm, vals_hbm, idx_hbm,
               raw_v, cand_v, hist_v, outv_v, outi_v,
               sk_v, sp_v, sortv_v, sorti_v, ks_v, ps_v, cnt_v, nid_v):
    cid = lax.axis_index("c")
    sid = lax.axis_index("s")
    wid = sid * NC + cid
    lanes = lax.iota(jnp.int32, 16)
    zeros16 = lanes - lanes
    ones = zeros16 + 1

    def zero_hist():
        @plsc.parallel_loop(0, 256, unroll=8)
        def _z(i):
            hist_v[pl.ds(i * 16, 16)] = zeros16

    def sweep(r_splat):
        @plsc.parallel_loop(0, 256, unroll=8, carry=zeros16)
        def csum(w, c):
            ws = lax.bitwise_and(zeros16 + w + lanes, zeros16 + 255)
            return c + plsc.load_gather(hist_v, [lanes * 256 + ws])

        sfx = lax.rev(plsc.cumsum(lax.rev(csum, (0,))), (0,))
        ge = lax.rev((sfx >= r_splat).astype(jnp.int32), (0,))
        gc = 15 - plsc.all_reduce_ffs(ge == 1)
        tot = zeros16
        base_idx = (gc * 16 + lanes) * 16
        for l in range(16):
            ls = lax.bitwise_and(lanes + l, zeros16 + 15)
            tot = tot + plsc.load_gather(hist_v, [base_idx + ls])
        sk_v[...] = sfx
        above = jnp.where(gc >= 15, zeros16,
                          plsc.load_gather(sk_v, [jnp.minimum(gc + 1,
                                                              zeros16 + 15)]))
        bsfx = lax.rev(plsc.cumsum(lax.rev(tot, (0,))), (0,)) + above
        geb = lax.rev((bsfx >= r_splat).astype(jnp.int32), (0,))
        jb = 15 - plsc.all_reduce_ffs(geb == 1)
        b = gc * 16 + jb
        sk_v[...] = tot
        t = plsc.load_gather(sk_v, [jb])
        sp_v[...] = bsfx
        g = plsc.load_gather(sp_v, [jb]) - t
        return b, g, t

    @pl.loop(0, RPW)
    def _row(t):
        row = wid * RPW + t
        for v in range(4):
            sortv_v[pl.ds(v * 16, 16)] = plsc.bitcast(zeros16 + v, jnp.float32)
            sorti_v[pl.ds(v * 16, 16)] = zeros16 + v
        pltpu.sync_copy(sortv_v, vals_hbm.at[row])
        pltpu.sync_copy(sorti_v, idx_hbm.at[row])


@jax.jit
def _sc_topk(inputs):
    mesh = plsc.VectorSubcoreMesh(core_axis_name="c", subcore_axis_name="s")
    cp = pltpu.CompilerParams()
    if "needs_layout_passes" in pltpu.CompilerParams.__dataclass_fields__:
        cp = dataclasses.replace(cp, needs_layout_passes=False)
    f = pl.kernel(
        _topk_body,
        compiler_params=cp,
        out_type=[
            jax.ShapeDtypeStruct((N_ROWS, K), jnp.float32),
            jax.ShapeDtypeStruct((N_ROWS, K), jnp.int32),
        ],
        mesh=mesh,
        scratch_types=[
            pltpu.VMEM((N_COLS,), jnp.float32),
            pltpu.VMEM((N_COLS,), jnp.int32),
            pltpu.VMEM((256 * 16,), jnp.int32),
            pltpu.VMEM((K,), jnp.float32),
            pltpu.VMEM((K,), jnp.int32),
            pltpu.VMEM((16,), jnp.int32),
            pltpu.VMEM((16,), jnp.int32),
            pltpu.VMEM((K,), jnp.float32),
            pltpu.VMEM((K,), jnp.int32),
            pltpu.VMEM((K,), jnp.int32),
            pltpu.VMEM((K,), jnp.int32),
            pltpu.VMEM((NV,), jnp.int32),
            pltpu.VMEM((NV,), jnp.int32),
        ],
    )
    return f(inputs)


def kernel(inputs):
    vals, idxs = _sc_topk(inputs)
    return (vals, idxs)

# --- scband reference (transcript-rebuilt; emitter-appended) ---
"""Pipeline reference for scband-top-klayer-71004399338175 (READ-ONLY COPY).

The authoritative reference and input builder live on the scoring server;
editing this copy changes nothing except your own understanding.
"""

import jax, jax.numpy as jnp
import numpy as np

def setup_inputs(seed: int = 0) -> dict:
    key = jax.random.key(seed)
    inputs = jax.random.normal(key, (128, 32768), dtype=jnp.float32)
    return {"inputs": inputs}

def reference(inputs):
    # tf.math.top_k(inputs, k) -> (values, indices) along last axis, sorted descending
    values, indices = jax.lax.top_k(inputs, 64)
    return (values, indices)

if __name__ == "__main__":
    import jax
    _d = setup_inputs()
    print(jax.jit(kernel)(*tuple(_d.values())))

</pallas_src>

<mosaic_0001>
#map = affine_map<(d0, d1) -> (0, 0)>
module attributes {stable_mosaic.version = 14 : i64} {
  func.func @_topk_body(%arg0: i32, %arg1: i32, %arg2: memref<128x32768xf32, #tpu.memory_space<hbm>>, %arg3: memref<128x64xf32, #tpu.memory_space<hbm>>, %arg4: memref<128x64xi32, #tpu.memory_space<hbm>>, %arg5: memref<32768xf32, #tpu.memory_space<vmem>>, %arg6: memref<32768xi32, #tpu.memory_space<vmem>>, %arg7: memref<4096xi32, #tpu.memory_space<vmem>>, %arg8: memref<64xf32, #tpu.memory_space<vmem>>, %arg9: memref<64xi32, #tpu.memory_space<vmem>>, %arg10: memref<16xi32, #tpu.memory_space<vmem>>, %arg11: memref<16xi32, #tpu.memory_space<vmem>>, %arg12: memref<64xf32, #tpu.memory_space<vmem>>, %arg13: memref<64xi32, #tpu.memory_space<vmem>>, %arg14: memref<64xi32, #tpu.memory_space<vmem>>, %arg15: memref<64xi32, #tpu.memory_space<vmem>>, %arg16: memref<2048xi32, #tpu.memory_space<vmem>>, %arg17: memref<2048xi32, #tpu.memory_space<vmem>>) attributes {dimension_semantics = [#tpu.dimension_semantics<core_parallel>, #tpu.dimension_semantics<subcore_parallel>], iteration_bounds = array<i64: 2, 16>, scalar_prefetch = 0 : i64, scratch_operands = 13 : i64, tpu.core_type = #tpu.core_type<sc_vector_subcore>, window_params = [{transform_indices = #map}, {transform_indices = #map}, {transform_indices = #map}]} {
    %mul3A = arith.constant 2 : i32
    %mul3A_0 = arith.muli %arg1, %mul3A : i32
    %add3A = arith.addi %mul3A_0, %arg0 : i32
    %iota3A = tpu.iota {dimensions = array<i32: 0>} : vector<16xi32>
    %sub3A = arith.subi %iota3A, %iota3A : vector<16xi32>
    %add3A_1 = arith.constant 1 : i32
    %add3A_2 = vector.broadcast %add3A_1 : i32 to vector<16xi32>
    %add3A_3 = arith.addi %sub3A, %add3A_2 : vector<16xi32>
    %scan3A = arith.constant 0 : i32
    %scan3A_4 = arith.constant 4 : i32
    %scan3A_5 = arith.addi %scan3A, %scan3A_4 : i32
    %scan3A_6 = arith.constant 1 : i32
    scf.for %scan3A_8 = %scan3A to %scan3A_5 step %scan3A_6  : i32 {
      %mul3A_9 = arith.constant 1 : i32
      %mul3A_10 = arith.muli %scan3A_8, %mul3A_9 : i32
      %add3A_11 = arith.constant 0 : i32
      %add3A_12 = arith.addi %add3A_11, %mul3A_10 : i32
      %mul3A_13 = arith.constant 4 : i32
      %mul3A_14 = arith.muli %add3A, %mul3A_13 : i32
      %add3A_15 = arith.addi %mul3A_14, %add3A_12 : i32
      %add3A_16 = arith.constant 0 : i32
      %add3A_17 = vector.broadcast %add3A_16 : i32 to vector<16xi32>
      %add3A_18 = arith.addi %sub3A, %add3A_17 : vector<16xi32>
      %bitcast3A = vector.bitcast %add3A_18 : vector<16xi32> to vector<16xf32>
      %swap3A = arith.constant 0 : index
      %swap3A_19 = tpu.vector_load %arg12[%swap3A] {strides = array<i32>} : memref<64xf32, #tpu.memory_space<vmem>>, vector<16xf32>,
      tpu.vector_store %arg12[%swap3A], %bitcast3A {strides = array<i32>} : memref<64xf32, #tpu.memory_space<vmem>>, vector<16xf32>,
      %add3A_20 = arith.constant 0 : i32
      %add3A_21 = vector.broadcast %add3A_20 : i32 to vector<16xi32>
      %add3A_22 = arith.addi %sub3A, %add3A_21 : vector<16xi32>
      %swap3A_23 = arith.constant 0 : index
      %swap3A_24 = tpu.vector_load %arg13[%swap3A_23] {strides = array<i32>} : memref<64xi32, #tpu.memory_space<vmem>>, vector<16xi32>,
      tpu.vector_store %arg13[%swap3A_23], %add3A_22 {strides = array<i32>} : memref<64xi32, #tpu.memory_space<vmem>>, vector<16xi32>,
      %add3A_25 = arith.constant 1 : i32
      %add3A_26 = vector.broadcast %add3A_25 : i32 to vector<16xi32>
      %add3A_27 = arith.addi %sub3A, %add3A_26 : vector<16xi32>
      %bitcast3A_28 = vector.bitcast %add3A_27 : vector<16xi32> to vector<16xf32>
      %swap3A_29 = arith.constant 16 : index
      %swap3A_30 = tpu.vector_load %arg12[%swap3A_29] {strides = array<i32>} : memref<64xf32, #tpu.memory_space<vmem>>, vector<16xf32>,
      tpu.vector_store %arg12[%swap3A_29], %bitcast3A_28 {strides = array<i32>} : memref<64xf32, #tpu.memory_space<vmem>>, vector<16xf32>,
      %add3A_31 = arith.constant 1 : i32
      %add3A_32 = vector.broadcast %add3A_31 : i32 to vector<16xi32>
      %add3A_33 = arith.addi %sub3A, %add3A_32 : vector<16xi32>
      %swap3A_34 = arith.constant 16 : index
      %swap3A_35 = tpu.vector_load %arg13[%swap3A_34] {strides = array<i32>} : memref<64xi32, #tpu.memory_space<vmem>>, vector<16xi32>,
      tpu.vector_store %arg13[%swap3A_34], %add3A_33 {strides = array<i32>} : memref<64xi32, #tpu.memory_space<vmem>>, vector<16xi32>,
      %add3A_36 = arith.constant 2 : i32
      %add3A_37 = vector.broadcast %add3A_36 : i32 to vector<16xi32>
      %add3A_38 = arith.addi %sub3A, %add3A_37 : vector<16xi32>
      %bitcast3A_39 = vector.bitcast %add3A_38 : vector<16xi32> to vector<16xf32>
      %swap3A_40 = arith.constant 32 : index
      %swap3A_41 = tpu.vector_load %arg12[%swap3A_40] {strides = array<i32>} : memref<64xf32, #tpu.memory_space<vmem>>, vector<16xf32>,
      tpu.vector_store %arg12[%swap3A_40], %bitcast3A_39 {strides = array<i32>} : memref<64xf32, #tpu.memory_space<vmem>>, vector<16xf32>,
      %add3A_42 = arith.constant 2 : i32
      %add3A_43 = vector.broadcast %add3A_42 : i32 to vector<16xi32>
      %add3A_44 = arith.addi %sub3A, %add3A_43 : vector<16xi32>
      %swap3A_45 = arith.constant 32 : index
      %swap3A_46 = tpu.vector_load %arg13[%swap3A_45] {strides = array<i32>} : memref<64xi32, #tpu.memory_space<vmem>>, vector<16xi32>,
      tpu.vector_store %arg13[%swap3A_45], %add3A_44 {strides = array<i32>} : memref<64xi32, #tpu.memory_space<vmem>>, vector<16xi32>,
      %add3A_47 = arith.constant 3 : i32
      %add3A_48 = vector.broadcast %add3A_47 : i32 to vector<16xi32>
      %add3A_49 = arith.addi %sub3A, %add3A_48 : vector<16xi32>
      %bitcast3A_50 = vector.bitcast %add3A_49 : vector<16xi32> to vector<16xf32>
      %swap3A_51 = arith.constant 48 : index
      %swap3A_52 = tpu.vector_load %arg12[%swap3A_51] {strides = array<i32>} : memref<64xf32, #tpu.memory_space<vmem>>, vector<16xf32>,
      tpu.vector_store %arg12[%swap3A_51], %bitcast3A_50 {strides = array<i32>} : memref<64xf32, #tpu.memory_space<vmem>>, vector<16xf32>,
      %add3A_53 = arith.constant 3 : i32
      %add3A_54 = vector.broadcast %add3A_53 : i32 to vector<16xi32>
      %add3A_55 = arith.addi %sub3A, %add3A_54 : vector<16xi32>
      %swap3A_56 = arith.constant 48 : index
      %swap3A_57 = tpu.vector_load %arg13[%swap3A_56] {strides = array<i32>} : memref<64xi32, #tpu.memory_space<vmem>>, vector<16xi32>,
      tpu.vector_store %arg13[%swap3A_56], %add3A_55 {strides = array<i32>} : memref<64xi32, #tpu.memory_space<vmem>>, vector<16xi32>,
      "tpu.region"() ({
        %run_scoped3A = tpu.sem_alloc : memref<!tpu.dma_semaphore, #tpu.memory_space<semaphore_mem>>
        %dma_start3A = arith.constant 0 : i32
        %dma_start3A_58 = tpu.memref_slice %arg3[%add3A_15, %dma_start3A] : memref<128x64xf32, #tpu.memory_space<hbm>> -> memref<1x64xf32, #tpu.memory_space<hbm>>
        %dma_start3A_59 = tpu.memref_squeeze %dma_start3A_58 : memref<1x64xf32, #tpu.memory_space<hbm>> -> memref<64xf32, #tpu.memory_space<hbm>>
        %dma_start3A_60 = arith.constant 0 : i32
        %dma_start3A_61 = tpu.memref_slice %arg3[%add3A_15, %dma_start3A_60] : memref<128x64xf32, #tpu.memory_space<hbm>> -> memref<1x64xf32, #tpu.memory_space<hbm>>
        %dma_start3A_62 = tpu.memref_squeeze %dma_start3A_61 : memref<1x64xf32, #tpu.memory_space<hbm>> -> memref<64xf32, #tpu.memory_space<hbm>>
        tpu.enqueue_dma source(%arg12 : memref<64xf32, #tpu.memory_space<vmem>>) target(%dma_start3A_62 : memref<64xf32, #tpu.memory_space<hbm>>) target_semaphore(%run_scoped3A : memref<!tpu.dma_semaphore, #tpu.memory_space<semaphore_mem>>)
        %dma_wait3A = arith.constant 0 : i32
        %dma_wait3A_63 = tpu.memref_slice %arg3[%add3A_15, %dma_wait3A] : memref<128x64xf32, #tpu.memory_space<hbm>> -> memref<1x64xf32, #tpu.memory_space<hbm>>
        %dma_wait3A_64 = tpu.memref_squeeze %dma_wait3A_63 : memref<1x64xf32, #tpu.memory_space<hbm>> -> memref<64xf32, #tpu.memory_space<hbm>>
        %dma_wait3A_65 = arith.constant 0 : i32
        %dma_wait3A_66 = tpu.memref_slice %arg3[%add3A_15, %dma_wait3A_65] : memref<128x64xf32, #tpu.memory_space<hbm>> -> memref<1x64xf32, #tpu.memory_space<hbm>>
        %dma_wait3A_67 = tpu.memref_squeeze %dma_wait3A_66 : memref<1x64xf32, #tpu.memory_space<hbm>> -> memref<64xf32, #tpu.memory_space<hbm>>
        tpu.wait_dma2 semaphore(%run_scoped3A : memref<!tpu.dma_semaphore, #tpu.memory_space<semaphore_mem>>) src(%arg12 : memref<64xf32, #tpu.memory_space<vmem>>) dst(%dma_wait3A_67 : memref<64xf32, #tpu.memory_space<hbm>>)
        tpu.yield
      }) : () -> ()
      "tpu.region"() ({
        %run_scoped3A = tpu.sem_alloc : memref<!tpu.dma_semaphore, #tpu.memory_space<semaphore_mem>>
        %dma_start3A = arith.constant 0 : i32
        %dma_start3A_58 = tpu.memref_slice %arg4[%add3A_15, %dma_start3A] : memref<128x64xi32, #tpu.memory_space<hbm>> -> memref<1x64xi32, #tpu.memory_space<hbm>>
        %dma_start3A_59 = tpu.memref_squeeze %dma_start3A_58 : memref<1x64xi32, #tpu.memory_space<hbm>> -> memref<64xi32, #tpu.memory_space<hbm>>
        %dma_start3A_60 = arith.constant 0 : i32
        %dma_start3A_61 = tpu.memref_slice %arg4[%add3A_15, %dma_start3A_60] : memref<128x64xi32, #tpu.memory_space<hbm>> -> memref<1x64xi32, #tpu.memory_space<hbm>>
        %dma_start3A_62 = tpu.memref_squeeze %dma_start3A_61 : memref<1x64xi32, #tpu.memory_space<hbm>> -> memref<64xi32, #tpu.memory_space<hbm>>
        tpu.enqueue_dma source(%arg13 : memref<64xi32, #tpu.memory_space<vmem>>) target(%dma_start3A_62 : memref<64xi32, #tpu.memory_space<hbm>>) target_semaphore(%run_scoped3A : memref<!tpu.dma_semaphore, #tpu.memory_space<semaphore_mem>>)
        %dma_wait3A = arith.constant 0 : i32
        %dma_wait3A_63 = tpu.memref_slice %arg4[%add3A_15, %dma_wait3A] : memref<128x64xi32, #tpu.memory_space<hbm>> -> memref<1x64xi32, #tpu.memory_space<hbm>>
        %dma_wait3A_64 = tpu.memref_squeeze %dma_wait3A_63 : memref<1x64xi32, #tpu.memory_space<hbm>> -> memref<64xi32, #tpu.memory_space<hbm>>
        %dma_wait3A_65 = arith.constant 0 : i32
        %dma_wait3A_66 = tpu.memref_slice %arg4[%add3A_15, %dma_wait3A_65] : memref<128x64xi32, #tpu.memory_space<hbm>> -> memref<1x64xi32, #tpu.memory_space<hbm>>
        %dma_wait3A_67 = tpu.memref_squeeze %dma_wait3A_66 : memref<1x64xi32, #tpu.memory_space<hbm>> -> memref<64xi32, #tpu.memory_space<hbm>>
        tpu.wait_dma2 semaphore(%run_scoped3A : memref<!tpu.dma_semaphore, #tpu.memory_space<semaphore_mem>>) src(%arg13 : memref<64xi32, #tpu.memory_space<vmem>>) dst(%dma_wait3A_67 : memref<64xi32, #tpu.memory_space<hbm>>)
        tpu.yield
      }) : () -> ()
    }
    %scan3A_7 = arith.constant 4 : i32
    return
  }
}

</mosaic_0001>

<sc_bundles>
// kernel: _sc_topk.3.cloned.1.call-start
scs
__scs_entry_jumppad:
0x0: {  	(pc) =	sbr.rel $0x88, $3  }
0x1: {  	(tag) =	ssettag $0x0;
	lr =	simm.s32 $0x1  }
0x2: {  	[smem:$0x3FA0] =	sst lr;
	_ =	strace $0xD0000000  }
0x3: {  	_ = 	snop  }
0x4: {  	_ = 	snop  }
0x5: {  	_ = 	snop  }
0x6: {  	_ = 	snop  }
0x7: {  	_ = 	snop  }
__scs_overlays_trampoline_lowered:
0x8: {  	[smem:$0x3FAF] =	sst s0  }
0x9: {  	[smem:$0x3FB0] =	sst s1  }
0xa: {  	[smem:$0x3FB1] =	sst s2  }
0xb: {  	[smem:$0x3FB2] =	sst s3  }
0xc: {  	[smem:$0x3FB3] =	sst s4  }
0xd: {  	[smem:$0x3FB4] =	sst s5  }
0xe: {  	[smem:$0x3FB5] =	sst s6  }
0xf: {  	[smem:$0x3FB6] =	sst s7  }
0x10: {  	[smem:$0x3FB7] =	sst s8  }
0x11: {  	[smem:$0x3FB8] =	sst s9;
	s0 =	simm.s32 @!p0 $0x0  }
0x12: {  	s1 =	sld [smem:$0x3F9E];
	s0 =	simm.s32 @p0 $0x1  }
0x13: {  	[smem:$0x3FB9] =	sst s0;
	s0 =	simm.s32 @!p1 $0x0  }
0x14: {  	s2 =	sld [smem:$0x3F9D];
	s0 =	simm.s32 @p1 $0x1  }
0x15: {  	[smem:$0x3FBA] =	sst s0;
	s0 =	simm.s32 @!p2 $0x0  }
0x16: {  	s3 =	sld [smem:$0x3FDB];
	s0 =	simm.s32 @p2 $0x1  }
0x17: {  	s4 =	simm.s32 $0x1BF5;
	[smem:$0x3FBC] =	sst s0  }
0x18: {  	s0 =	sld [smem:$0x3F9F];
	_ =	swait.ge [sflag:s4], $0x0  }
0x19: {  	s7 =	sld [smem:$0x3FA0]  }
0x1a: {  	s8 =	sadd.s32 $0xFFFFE003, lr  }
0x1b: {  	s9 =	sadd.s32 $0xFFFFFEF7, lr;
	s5 =	simm.s32 $0xFFFFFFFF;
	p2 =	slt.u32 s8, $0xFFFFF086  }
0x1c: {  	p1 =	slt.u32 s9, $0xF7A;
	s5 =	simm.s32 @!p2 $0x0  }
0x1d: {  	s5 =	simm.s32 @p1 $0x1;
	p0 =	seq.s32 s7, s2  }
0x1e: {  	s7 =	smul.u32 @!p0 $0xF7A, s2;
	p2 =	seq.s32 @!p0 s5, $0x0  }
0x1f: {  	s9 =	smul.u32 $0xF7A, s1;
	s8 =	simm.s32 @!p0 $0x1BF5;
	p2 =	por !p2, p0  }
0x20: {  	[sflag:s8] =	ssyncset.s32 @!p0 $0xFFFFF086;
	s6 =	sadd.s32 @!p0 s3, s7;
	s7 =	simm.s32 @!p0 $0x108  }
0x21: {  	s3 =	sadd.s32 s3, s9;
	s6 =	sadd.s32 @!p0 $0x88, s6;
	s7 =	simm.s32 @p2 $0x1082  }
0x22: {  	[simem:s7], [sflag:s8] =	dma.local @!p0 [hbm:s6], $0xF7A  }
0x23: {  	s9 =	sor.u32 $0xD0000000, s2;
	s6 =	simm.s32 $0x108;
	_ =	swait.ge @!p0 [sflag:s8], $0x0  }
0x24: {  	s3 =	sadd.s32 $0x88, s3;
	s6 =	simm.s32 @!p1 $0x1082;
	[sflag:s4] =	ssyncset.s32 $0xFFFFF086  }
0x25: {  	[simem:s6], [sflag:s4] =	dma.local [hbm:s3], $0xF7A  }
0x26: {  	[smem:$0x3FA0] =	sst s1;
	(tag) =	ssettag s2;
	_ =	strace s9  }
0x27: {  	s1 =	sld [smem:$0x3FB0]  }
0x28: {  	s2 =	sld [smem:$0x3FB1]  }
0x29: {  	s4 =	sld [smem:$0x3FB3]  }
0x2a: {  	p0 =	seq.s32 s5, $0x0;
	s5 =	sld [smem:$0x3FB4]  }
0x2b: {  	s6 =	sld [smem:$0x3FB5]  }
0x2c: {  	s7 =	sld [smem:$0x3FB6]  }
0x2d: {  	s3 =	simm.s32 $0x108;
	s8 =	sld [smem:$0x3FB7]  }
0x2e: {  	s3 =	simm.s32 @!p0 $0x1082;
	s9 =	sld [smem:$0x3FB8]  }
0x2f: {  	lr =	sadd.s32 s0, s3;
	s0 =	sld [smem:$0x3FAF]  }
0x30: {  	s3 =	sld [smem:$0x3FB2]  }
0x31: {  	[smem:$0x3FBB] =	sst s10  }
0x32: {  	s10 =	sld [smem:$0x3FB9];
	_ =	sdelay $0x3  }
0x33: {  	p0 =	seq.s32 s10, $0x1;
	s10 =	sld [smem:$0x3FBB];
	_ =	sdelay $0x3  }
0x34: {  	[smem:$0x3FBB] =	sst s10  }
0x35: {  	s10 =	sld [smem:$0x3FBA];
	_ =	sdelay $0x3  }
0x36: {  	p1 =	seq.s32 s10, $0x1;
	s10 =	sld [smem:$0x3FBB];
	_ =	sdelay $0x3  }
0x37: {  	[smem:$0x3FBB] =	sst s10  }
0x38: {  	s10 =	sld [smem:$0x3FBC]  }
0x39: {  	_ = 	snop;
	(pc) =	sbr.ind lr, $3  }
0x3a: {  	_ = 	snop  }
0x3b: {  	_ = 	snop  }
0x3c: {  	p2 =	seq.s32 s10, $0x1;
	s10 =	sld [smem:$0x3FBB]  }
0x3d: {  	_ =	shalt  }
0x3e: {  	_ =	shalt  }
0x3f: {  	_ =	shalt  }
0x40: {  	_ =	shalt  }
0x41: {  	_ =	shalt  }
0x42: {  	_ =	shalt  }
0x43: {  	_ =	shalt  }
0x44: {  	_ =	shalt  }
0x45: {  	_ =	shalt  }
0x46: {  	_ =	shalt  }
0x47: {  	_ =	shalt  }
0x48: {  	_ =	shalt  }
0x49: {  	_ =	shalt  }
0x4a: {  	_ =	shalt  }
0x4b: {  	_ =	shalt  }
0x4c: {  	_ =	shalt  }
0x4d: {  	_ =	shalt  }
0x4e: {  	_ =	shalt  }
0x4f: {  	_ =	shalt  }
0x50: {  	_ =	shalt  }
0x51: {  	_ =	shalt  }
0x52: {  	_ =	shalt  }
0x53: {  	_ =	shalt  }
0x54: {  	_ =	shalt  }
0x55: {  	_ =	shalt  }
0x56: {  	_ =	shalt  }
0x57: {  	_ =	shalt  }
0x58: {  	_ =	shalt  }
0x59: {  	_ =	shalt  }
0x5a: {  	_ =	shalt  }
0x5b: {  	_ =	shalt  }
0x5c: {  	_ =	shalt  }
0x5d: {  	_ =	shalt  }
0x5e: {  	_ =	shalt  }
0x5f: {  	_ =	shalt  }
0x60: {  	_ =	shalt  }
0x61: {  	_ =	shalt  }
0x62: {  	_ =	shalt  }
0x63: {  	_ =	shalt  }
0x64: {  	_ =	shalt  }
0x65: {  	_ =	shalt  }
0x66: {  	_ =	shalt  }
0x67: {  	_ =	shalt  }
0x68: {  	_ =	shalt  }
0x69: {  	_ =	shalt  }
0x6a: {  	_ =	shalt  }
0x6b: {  	_ =	shalt  }
0x6c: {  	_ =	shalt  }
0x6d: {  	_ =	shalt  }
0x6e: {  	_ =	shalt  }
0x6f: {  	_ =	shalt  }
0x70: {  	_ =	shalt  }
0x71: {  	_ =	shalt  }
0x72: {  	_ =	shalt  }
0x73: {  	_ =	shalt  }
0x74: {  	_ =	shalt  }
0x75: {  	_ =	shalt  }
0x76: {  	_ =	shalt  }
0x77: {  	_ =	shalt  }
0x78: {  	_ =	shalt  }
0x79: {  	_ =	shalt  }
0x7a: {  	_ =	shalt  }
0x7b: {  	_ =	shalt  }
0x7c: {  	_ =	shalt  }
0x7d: {  	_ =	shalt  }
0x7e: {  	_ =	shalt  }
0x7f: {  	_ =	shalt  }
0x80: {  	_ =	shalt  }
0x81: {  	_ =	shalt  }
0x82: {  	_ =	shalt  }
0x83: {  	_ =	shalt  }
0x84: {  	_ =	shalt  }
0x85: {  	_ =	shalt  }
0x86: {  	_ =	shalt  }
0x87: {  	_ =	shalt  }
.Lfunc_end0:
.L_simem_size_0:
called_computation_lowered:
.L_overlay_start_0:
0x88: {  	s2 =	sld [smem:$0x3FD9]  }
0x89: {  	s3 =	sld [smem:$0x3FFE];
	_ =	sdelay $0x1  }
0x8a: {  	s1 =	srdreg.scid  }
0x8b: {  	s0 =	sand.u32 $0x1, s1  }
0x8c: {  	s16 =	sshll.u32 s0, $0xA;
	s2 =	sadd.s32 s3, s2  }
0x8d: {  	s2 =	sadd.s32 s2, s16  }
0x8e: {  	[smem:$0x3FC7] =	sst s2  }
0x8f: {  	_ = 	snop  }
0x90: {  	(tm) =	ssettm $0x1  }
0x91: {  	s17 =	sld [smem:$0x3FFB];
	_ =	sdelay $0x3  }
0x92: {  	_ =	strace s17  }
0x93: {  	s2 =	sld [smem:$0x3FFC];
	_ =	sdelay $0x3  }
0x94: {  	_ =	strace s2  }
0x95: {  	s2 =	sld [smem:$0x3FFD];
	_ =	sdelay $0x3  }
0x96: {  	_ =	strace s2  }
0x97: {  	_ =	strace $0x8FFFFFFF  }
0x98: {  	s18 =	sld [smem:$0x3FDB];
	_ =	sdelay $0x1  }
0x99: {  	s19 =	simm.s32 $_scs_section_size  }
0x9a: {  	s4 =	simm.s32 $_size__tile_overlayer_lowered;
	s5 =	simm.s32 $_tile_overlayer_lowered  }
0x9b: {  	s22 =	simm.s32 $0x1BFF;
	s21 =	sshll.u32 s5, $0x1;
	s2 =	sadd.s32 s19, s18  }
0x9c: {  	s6 =	simm.s32 $0x0;
	s20 =	sshll.u32 s4, $0x1;
	s4 =	sadd.s32 s21, s2  }
0x9d: {  	[timem:s6], [sflag:s22] =	dma.local [hbm:s4], s20  }
0x9e: {  	_ =	swait.ge [sflag:s22], s20  }
0x9f: {  	s3 =	ssub.s32 $0x0, s20;
	[sflag:s22] =	ssyncset.done $0x0  }
0xa0: {  	[sflag:s22] =	ssyncadd.s32 s3;
	_ =	sdelay $0x1  }
0xa1: {  	s23 =	simm.s32 $0x1B8B  }
0xa2: {  	_ =	swait.ge [sflag:s23], $0x1  }
0xa3: {  	[sflag:s23] =	ssyncset.done $0x0  }
0xa4: {  	s25 =	simm.s32 $0x1B8E;
	s24 =	sld [smem:$0x3FFE];
	[sflag:s23] =	ssyncadd.s32 $0xFFFFFFFF  }
0xa5: {  	s26 =	simm.s32 $execute0_lowered;
	[smem:$0x3FD2] =	sst s25  }
0xa6: {  	s4 =	sshll.u32 s26, $0x1;
	_ =	strace $0x80000046;
	[dreg:$0x1] =	wrdreg $0xFFFFFFFF  }
0xa7: {  	s28 =	simm.s32 $_size_execute0_lowered;
	s2 =	sadd.s32 s2, s4;
	[dreg:$0x0] =	wrdreg $0x0  }
0xa8: {  	s4 =	sshll.u32 s28, $0x1;
	[dreg:$0x2] =	wrdreg s2  }
0xa9: {  	[dreg:$0x3] =	wrdreg s4  }
0xaa: {  	[dreg:$0x4] =	wrdreg $0xC0  }
0xab: {  	_ =	task [dreg:s6], $0x5FFFF  }
0xac: {  	[dreg:$0x1] =	wrdreg $0xFFFFFFFF  }
0xad: {  	[dreg:$0x0] =	wrdreg $0x60  }
0xae: {  	[dreg:$0x2] =	wrdreg s24  }
0xaf: {  	[dreg:$0x3] =	wrdreg $0x9  }
0xb0: {  	_ =	task.clear_ibuf [dreg:s6], $0x4FFFF;
	_ =	strace $0x90000046  }
0xb1: {  	s29 =	simm.s32 $0x9;
	_ =	strace $0x80000048  }
0xb2: {  	_ =	swait.ge [sflag:s29], $0x1  }
0xb3: {  	[sflag:s29] =	ssyncadd.s32 $0xFFFFFFFF  }
0xb4: {  	_ =	strace $0x90000048  }
0xb5: {  	_ =	sfence  }
0xb6: {  	s30 =	sld [smem:$0x0];
	_ =	sdelay $0x2  }
0xb7: {  	s31 =	sshll.u32 s1, $0xD;
	s1 =	sshrl.u32 s1, $0x2  }
0xb8: {  	s3 =	sand.u32 $0x4000, s31;
	s1 =	sadd.s32 s1, s30  }
0xb9: {  	s0 =	sor.u32 s3, s0;
	s1 =	sshll.u32 s1, $0x11  }
0xba: {  	s0 =	sor.u32 s1, s0  }
0xbb: {  	s0 =	sadd.s32 $0x8F2B, s0  }
0xbc: {  	[sflag:s0] =	ssyncadd.remote.s32 $0x1  }
0xbd: {  	_ =	sfence.sel $0xFFFF  }
0xbe: {  	[dreg:$0x0] =	wrdreg $0xFFFFFFFF;
	(pc) =	sbr.abs _section_cstart, $3  }
0xbf: {  	[dreg:$0x1] =	wrdreg $0xFFFFFFFF  }
0xc0: {  	_ =	task.clear_ibuf [dreg:s6], $0x2FFFF;
	_ =	strace $0x9FFFFFFF  }
0xc1: {  	(tm) =	ssettm $0x7FFFFFFF  }
tec
execute0_lowered:
.L_overlay_start_1:
0x0: {  	(tag) =	ssettag $0x1  }
0x1: {  	s3 =	rddreg [dreg:$0x0]  }
0x2: {  	s0 =	rddreg [dreg:$0x1];
	s1 =	simm.s32 $0x0  }
0x3: {  	s2 =	srdreg.scid;
	s13 =	simm.s32 $0x80;
	[smem:$0x7FF] =	sst s1  }
0x4: {  	s4 =	sand.u32 $0x1, s2;
	s2 =	stileid.u32;
	s10 =	sadd.s32 $0x800, s3  }
0x5: {  	s5 =	ssub.s32 $0x2, s4;
	s7 =	sshll.u32 s2, $0x7;
	s4 =	sshll.u32 s4, $0x6  }
0x6: {  	s11 =	sadd.s32 $0x1000, s3;
	s6 =	sshrl.u32 s5, $0x1;
	s8 =	sor.u32 s7, s4  }
0x7: {  	_ =	strace $0x80000047;
	s5 =	ssub.s32 s5, s6;
	s7 =	sor.u32 $0x10, s8  }
0x8: {  	s4 =	sadd.s32 s10, s8;
	s9 =	sor.u32 $0x20, s8;
	s12 =	sor.u32 $0x30, s8  }
0x9: {  	v0 =	vimm.f32 $0.0e+00;
	v1 =	vimm.s32 $0x0;
	s3 =	smax.u32 s5, $0x1;
	s5 =	sadd.s32 s11, s8;
	s6 =	sadd.s32 s10, s7  }
0xa: {  	v2 =	vimm.f32 $1.401298460e-45;
	v3 =	vimm.s32 $0x1;
	v4 =	vimm.f32 $2.802596930e-45;
	s7 =	sadd.s32 s11, s7;
	s8 =	sadd.s32 s10, s9;
	s9 =	sadd.s32 s11, s9  }
0xb: {  	v5 =	vimm.s32 $0x2;
	v6 =	vimm.f32 $4.203895390e-45;
	v7 =	vimm.s32 $0x3;
	s10 =	sadd.s32 s10, s12;
	s11 =	sadd.s32 s11, s12;
	s12 =	simm.s32 $0x1  }
.LBB2_1:
0xc: {  	[tilespmem:$0x0] =	vst v0  }
0xd: {  	[tilespmem:$0x80] =	vst v1  }
0xe: {  	[tilespmem:$0x10] =	vst v2  }
0xf: {  	[tilespmem:$0x90] =	vst v3  }
0x10: {  	[tilespmem:$0x20] =	vst v4  }
0x11: {  	[tilespmem:$0xA0] =	vst v5  }
0x12: {  	[tilespmem:$0x30] =	vst v6  }
0x13: {  	[tilespmem:$0xB0] =	vst v7  }
0x14: {  	[hbm4b:s4+s1] =	stream.linear.scatter [tilespmem:s1], [sflag:$0x1], $0x80, $0x38;
	[tilespmem:$0x100] =	vst v63  }
0x15: {  	_ =	swait.ge [sflag:s12], $0x80  }
0x16: {  	[sflag:s12] =	ssyncset.done $0x0  }
0x17: {  	[sflag:s12] =	ssyncadd.s32 $0xFFFFFF80  }
0x18: {  	[hbm4b:s5+s1] =	stream.linear.scatter [tilespmem:s13], [sflag:$0x1], $0x80, $0x38;
	[tilespmem:$0x100] =	vst v63  }
0x19: {  	_ =	swait.ge [sflag:s12], $0x80  }
0x1a: {  	[sflag:s12] =	ssyncset.done $0x0  }
0x1b: {  	[sflag:s12] =	ssyncadd.s32 $0xFFFFFF80  }
0x1c: {  	[tilespmem:$0x0] =	vst v0  }
0x1d: {  	[tilespmem:$0x80] =	vst v1  }
0x1e: {  	[tilespmem:$0x10] =	vst v2  }
0x1f: {  	[tilespmem:$0x90] =	vst v3  }
0x20: {  	[tilespmem:$0x20] =	vst v4  }
0x21: {  	[tilespmem:$0xA0] =	vst v5  }
0x22: {  	[tilespmem:$0x30] =	vst v6  }
0x23: {  	[tilespmem:$0xB0] =	vst v7  }
0x24: {  	[hbm4b:s6+s1] =	stream.linear.scatter [tilespmem:s1], [sflag:$0x1], $0x80, $0x38;
	[tilespmem:$0x100] =	vst v63  }
0x25: {  	_ =	swait.ge [sflag:s12], $0x80  }
0x26: {  	[sflag:s12] =	ssyncset.done $0x0  }
0x27: {  	[sflag:s12] =	ssyncadd.s32 $0xFFFFFF80  }
0x28: {  	[hbm4b:s7+s1] =	stream.linear.scatter [tilespmem:s13], [sflag:$0x1], $0x80, $0x38;
	[tilespmem:$0x100] =	vst v63  }
0x29: {  	_ =	swait.ge [sflag:s12], $0x80  }
0x2a: {  	[sflag:s12] =	ssyncset.done $0x0  }
0x2b: {  	[sflag:s12] =	ssyncadd.s32 $0xFFFFFF80  }
0x2c: {  	[tilespmem:$0x0] =	vst v0  }
0x2d: {  	[tilespmem:$0x80] =	vst v1  }
0x2e: {  	[tilespmem:$0x10] =	vst v2  }
0x2f: {  	[tilespmem:$0x90] =	vst v3  }
0x30: {  	[tilespmem:$0x20] =	vst v4  }
0x31: {  	[tilespmem:$0xA0] =	vst v5  }
0x32: {  	[tilespmem:$0x30] =	vst v6  }
0x33: {  	[tilespmem:$0xB0] =	vst v7  }
0x34: {  	[hbm4b:s8+s1] =	stream.linear.scatter [tilespmem:s1], [sflag:$0x1], $0x80, $0x38;
	[tilespmem:$0x100] =	vst v63  }
0x35: {  	_ =	swait.ge [sflag:s12], $0x80  }
0x36: {  	[sflag:s12] =	ssyncset.done $0x0  }
0x37: {  	[sflag:s12] =	ssyncadd.s32 $0xFFFFFF80  }
0x38: {  	[hbm4b:s9+s1] =	stream.linear.scatter [tilespmem:s13], [sflag:$0x1], $0x80, $0x38;
	[tilespmem:$0x100] =	vst v63  }
0x39: {  	_ =	swait.ge [sflag:s12], $0x80  }
0x3a: {  	[sflag:s12] =	ssyncset.done $0x0  }
0x3b: {  	[sflag:s12] =	ssyncadd.s32 $0xFFFFFF80  }
0x3c: {  	[tilespmem:$0x0] =	vst v0  }
0x3d: {  	[tilespmem:$0x80] =	vst v1  }
0x3e: {  	[tilespmem:$0x10] =	vst v2  }
0x3f: {  	[tilespmem:$0x90] =	vst v3  }
0x40: {  	[tilespmem:$0x20] =	vst v4  }
0x41: {  	[tilespmem:$0xA0] =	vst v5  }
0x42: {  	[tilespmem:$0x30] =	vst v6  }
0x43: {  	[tilespmem:$0xB0] =	vst v7  }
0x44: {  	[hbm4b:s10+s1] =	stream.linear.scatter [tilespmem:s1], [sflag:$0x1], $0x80, $0x38;
	[tilespmem:$0x100] =	vst v63  }
0x45: {  	_ =	swait.ge [sflag:s12], $0x80  }
0x46: {  	p0 =	sne.s32 s3, $0x1;
	[sflag:s12] =	ssyncset.done $0x0  }
.Ltmp0:
0x47: {  	[sflag:s12] =	ssyncadd.s32 $0xFFFFFF80;
	(pc) =	sbr.rel @p0 .LBB2_1-.Ltmp0, $4  }
0x48: {  	[hbm4b:s11+s1] =	stream.linear.scatter [tilespmem:s13], [sflag:$0x1], $0x80, $0x38;
	[tilespmem:$0x100] =	vst v63  }
0x49: {  	_ =	swait.ge [sflag:s12], $0x80  }
0x4a: {  	[sflag:s12] =	ssyncset.done $0x0  }
0x4b: {  	s3 =	sadd.s32 $0xFFFFFFFF, s3;
	[sflag:s12] =	ssyncadd.s32 $0xFFFFFF80  }
0x4c: {  	_ =	sfence.sel $0x180000  }
0x4d: {  	[bflag:$0x0] =	sbarrier.arrive $0xFFFF  }
0x4e: {  	p0 =	sne.s32 s2, $0x0;
	_ =	strace $0x90000047  }
0x4f: {  	s0 =	sadd.s32 @!p0 $0x100000, s0;
	[bflag:$0x2] =	sbarrier.arrive $0xFFFF  }
0x50: {  	[sflag:s0] =	ssyncadd.tile.s32 @!p0 $0x1;
	_ =	shalt  }
.Lfunc_end2:
_tile_overlayer_lowered:
.L_overlay_start_2:
0x51: {  	(tag) =	ssettag $0x2  }
0x52: {  	s0 =	rddreg [dreg:$0x0];
	s2 =	stileid.u32  }
0x53: {  	s1 =	rddreg [dreg:$0x1];
	p0 =	sne.s32 s2, $0x0  }
0x54: {  	s3 =	rddreg [dreg:$0x2];
	[bflag:$0x3] =	sbarrier.arrive $0xFFFF;
	s2 =	simm.s32 @!p0 $0x1C01  }
0x55: {  	[timem:s3], [sflag:s2] =	dma.local @!p0 [hbm:s0], s1  }
0x56: {  	s0 =	simm.s32 @!p0 $0x1  }
0x57: {  	_ =	swait.ge @!p0 [sflag:s0], s1  }
0x58: {  	s1 =	ssub.s32 @!p0 $0x0, s1;
	[sflag:s0] =	ssyncset.done @!p0 $0x0  }
0x59: {  	[sflag:s0] =	ssyncadd.s32 @!p0 s1  }
0x5a: {  	[bflag:$0x3] =	sbarrier.arrive $0xFFFF  }
0x5b: {  	_ =	shalt  }

</sc_bundles>
